<compile_context>
chip_gen: v7x
topology: tpu7x:2x2x1
jax: 0.10.2.dev20260603
libtpu: 0.0.44.dev20260713+nightly
codegen_flags: <defaults>
</compile_context>

<pallas_src>
import functools

import numpy as np
import jax
import jax.numpy as jnp
from jax import lax
from jax.experimental import pallas as pl
from jax.experimental.pallas import tpu as pltpu
from jax.experimental.pallas import tpu_sc as plsc

_EMB = 128
_MAXLEN = 1024
_NC, _NS, _LANES = 2, 16, 16
_NW = _NC * _NS


def _pe_np():
    den = np.exp(-np.arange(0, _EMB, 2, dtype=np.float64) * np.log(10000.0) / _EMB)
    pos = np.arange(0, _MAXLEN, dtype=np.float64).reshape(_MAXLEN, 1)
    pe = np.zeros((_MAXLEN, _EMB), dtype=np.float32)
    pe[:, 0::2] = np.sin(pos * den)
    pe[:, 1::2] = np.cos(pos * den)
    return pe


_PE_NP = _pe_np()


@functools.lru_cache(maxsize=1)
def _pe_device():
    return jnp.asarray(_PE_NP)


@functools.partial(jax.jit, static_argnames=("batch", "seqlen"))
def _lookup(idx_flat, token_table, segment_table, pe, *, batch, seqlen):
    n = batch * seqlen
    rows_per_w = n // _NW
    seg_boundary = seqlen // 2 + 1
    nvec = _EMB // _LANES

    @functools.partial(
        pl.kernel,
        mesh=plsc.VectorSubcoreMesh(core_axis_name="c", subcore_axis_name="s"),
        out_type=jax.ShapeDtypeStruct((n, _EMB), jnp.float32),
        scratch_types=[
            pltpu.VMEM((rows_per_w,), jnp.int32),
            pltpu.VMEM((rows_per_w, _EMB), jnp.float32),
            pltpu.VMEM((rows_per_w, _EMB), jnp.float32),
            pltpu.VMEM((2, _EMB), jnp.float32),
            pltpu.SemaphoreType.DMA,
            pltpu.SemaphoreType.DMA,
            pltpu.SemaphoreType.DMA,
        ],
    )
    def emb_kernel(idx_hbm, tok_hbm, seg_hbm, pe_hbm, out_hbm,
                   idx_v, rows_v, pos_v, seg_v, gsem, psem, ssem):
        wid = lax.axis_index("s") * _NC + lax.axis_index("c")
        base = wid * rows_per_w
        pos_off = lax.rem(base, seqlen)

        pcopy = pltpu.async_copy(pe_hbm.at[pl.ds(pos_off, rows_per_w)], pos_v, psem)
        scopy = pltpu.async_copy(seg_hbm.at[pl.ds(0, 2)], seg_v, ssem)
        pltpu.sync_copy(idx_hbm.at[pl.ds(base, rows_per_w)], idx_v)
        gather = pltpu.async_copy(tok_hbm.at[idx_v], rows_v, gsem)

        scopy.wait()
        seg_rows = [
            [seg_v[r, pl.ds(j * _LANES, _LANES)] for j in range(nvec)]
            for r in (0, 1)
        ]
        k0 = jnp.clip(seg_boundary - pos_off, 0, rows_per_w)
        pcopy.wait()
        gather.wait()

        @plsc.parallel_loop(0, rows_per_w, unroll=1)
        def _(i):
            use1 = i >= k0
            for j in range(nvec):
                sl = pl.ds(j * _LANES, _LANES)
                s = jnp.where(use1, seg_rows[1][j], seg_rows[0][j])
                plsc.addupdate(rows_v.at[i, sl], pos_v[i, sl] + s)

        pltpu.sync_copy(rows_v, out_hbm.at[pl.ds(base, rows_per_w)])

    return emb_kernel(idx_flat, token_table, segment_table, pe)


def kernel(x, atten_mask, token_table, segment_table):
    batch, seqlen = x.shape
    idx_flat = x.reshape(-1).astype(jnp.int32)
    out = _lookup(idx_flat, token_table, segment_table, _pe_device(),
                  batch=batch, seqlen=seqlen)
    return out.reshape(batch, seqlen, _EMB)

# --- scband reference (transcript-rebuilt; emitter-appended) ---
"""Pipeline reference for scband-bertembedding-37349035606586 (READ-ONLY COPY).

The authoritative reference and input builder live on the scoring server;
editing this copy changes nothing except your own understanding.
"""

import jax, jax.numpy as jnp
import numpy as np

VOCAB = 100000
EMB = 128
MAXLEN = 1024

def _sincos_table(emb_size, maxlen):
    den = np.exp(-np.arange(0, emb_size, 2, dtype=np.float64) * np.log(10000.0) / emb_size)
    pos = np.arange(0, maxlen, dtype=np.float64).reshape(maxlen, 1)
    pe = np.zeros((maxlen, emb_size), dtype=np.float32)
    pe[:, 0::2] = np.sin(pos * den)
    pe[:, 1::2] = np.cos(pos * den)
    return jnp.asarray(pe)[None]  # [1, maxlen, emb]

def setup_inputs(seed: int = 0) -> dict:
    key = jax.random.key(seed)
    k1, k2, k3 = jax.random.split(key, 3)
    x = jax.random.randint(k1, (4, 1024), 0, VOCAB, dtype=jnp.int64)
    atten_mask = jnp.ones((4, 1024), dtype=bool)
    token_table = jax.random.normal(k2, (VOCAB, EMB), dtype=jnp.float32)
    segment_table = jax.random.normal(k3, (VOCAB, EMB), dtype=jnp.float32)
    return {"x": x, "atten_mask": atten_mask, "token_table": token_table, "segment_table": segment_table}

def reference(x, atten_mask, token_table, segment_table):
    # pos_emb == 'sin' branch of BERTEmbedding.forward
    sentence_size = x.shape[1]
    tok_emb = jnp.take(token_table, x, axis=0)  # [B, L, E] gather
    pos_emb = _sincos_table(EMB, MAXLEN)[:, :sentence_size, :]  # [1, L, E]
    # segment ids: zeros, second half (from L//2+1) set to 1
    seg_ids = jnp.zeros(x.shape, dtype=jnp.int32).at[:, sentence_size // 2 + 1:].set(1)
    seg_emb = jnp.take(segment_table, seg_ids, axis=0)  # [B, L, E] gather
    total_input_emb = tok_emb + seg_emb + pos_emb
    return total_input_emb

if __name__ == "__main__":
    import jax
    _d = setup_inputs()
    print(jax.jit(kernel)(*tuple(_d.values())))

</pallas_src>

<mosaic_0001>
#map = affine_map<(d0, d1) -> (0)>
#map1 = affine_map<(d0, d1) -> (0, 0)>
module attributes {stable_mosaic.version = 14 : i64} {
  func.func @emb_kernel(%arg0: i32, %arg1: i32, %arg2: memref<4096xi32, #tpu.memory_space<hbm>>, %arg3: memref<100000x128xf32, #tpu.memory_space<hbm>>, %arg4: memref<100000x128xf32, #tpu.memory_space<hbm>>, %arg5: memref<1024x128xf32, #tpu.memory_space<hbm>>, %arg6: memref<4096x128xf32, #tpu.memory_space<hbm>>, %arg7: memref<128xi32, #tpu.memory_space<vmem>>, %arg8: memref<128x128xf32, #tpu.memory_space<vmem>>, %arg9: memref<128x128xf32, #tpu.memory_space<vmem>>, %arg10: memref<2x128xf32, #tpu.memory_space<vmem>>, %arg11: memref<!tpu.dma_semaphore, #tpu.memory_space<semaphore_mem>>, %arg12: memref<!tpu.dma_semaphore, #tpu.memory_space<semaphore_mem>>, %arg13: memref<!tpu.dma_semaphore, #tpu.memory_space<semaphore_mem>>) attributes {dimension_semantics = [#tpu.dimension_semantics<core_parallel>, #tpu.dimension_semantics<subcore_parallel>], iteration_bounds = array<i64: 2, 16>, scalar_prefetch = 0 : i64, scratch_operands = 7 : i64, tpu.core_type = #tpu.core_type<sc_vector_subcore>, window_params = [{transform_indices = #map}, {transform_indices = #map1}, {transform_indices = #map1}, {transform_indices = #map1}, {transform_indices = #map1}]} {
    %mul3A = arith.constant 2 : i32
    %mul3A_0 = arith.muli %arg1, %mul3A : i32
    %add3A = arith.addi %mul3A_0, %arg0 : i32
    %mul3A_1 = arith.constant 128 : i32
    %mul3A_2 = arith.muli %add3A, %mul3A_1 : i32
    %rem3A = arith.constant 1024 : i32
    %rem3A_3 = arith.remsi %mul3A_2, %rem3A : i32
    %dma_start3A = arith.constant 0 : i32
    %dma_start3A_4 = tpu.memref_slice %arg5[%rem3A_3, %dma_start3A] : memref<1024x128xf32, #tpu.memory_space<hbm>> -> memref<128x128xf32, #tpu.memory_space<hbm>>
    %dma_start3A_5 = arith.constant 0 : i32
    %dma_start3A_6 = tpu.memref_slice %arg5[%rem3A_3, %dma_start3A_5] : memref<1024x128xf32, #tpu.memory_space<hbm>> -> memref<128x128xf32, #tpu.memory_space<hbm>>
    tpu.enqueue_dma source(%dma_start3A_6 : memref<128x128xf32, #tpu.memory_space<hbm>>) target(%arg9 : memref<128x128xf32, #tpu.memory_space<vmem>>) target_semaphore(%arg12 : memref<!tpu.dma_semaphore, #tpu.memory_space<semaphore_mem>>)
    %dma_start3A_7 = arith.constant 0 : i32
    %dma_start3A_8 = arith.constant 0 : i32
    %dma_start3A_9 = tpu.memref_slice %arg4[%dma_start3A_7, %dma_start3A_8] : memref<100000x128xf32, #tpu.memory_space<hbm>> -> memref<2x128xf32, #tpu.memory_space<hbm>>
    %dma_start3A_10 = arith.constant 0 : i32
    %dma_start3A_11 = arith.constant 0 : i32
    %dma_start3A_12 = tpu.memref_slice %arg4[%dma_start3A_10, %dma_start3A_11] : memref<100000x128xf32, #tpu.memory_space<hbm>> -> memref<2x128xf32, #tpu.memory_space<hbm>>
    tpu.enqueue_dma source(%dma_start3A_12 : memref<2x128xf32, #tpu.memory_space<hbm>>) target(%arg10 : memref<2x128xf32, #tpu.memory_space<vmem>>) target_semaphore(%arg13 : memref<!tpu.dma_semaphore, #tpu.memory_space<semaphore_mem>>)
    "tpu.region"() ({
      %run_scoped3A = tpu.sem_alloc : memref<!tpu.dma_semaphore, #tpu.memory_space<semaphore_mem>>
      %dma_start3A_111 = tpu.memref_slice %arg2[%mul3A_2] : memref<4096xi32, #tpu.memory_space<hbm>> -> memref<128xi32, #tpu.memory_space<hbm>>
      %dma_start3A_112 = tpu.memref_slice %arg2[%mul3A_2] : memref<4096xi32, #tpu.memory_space<hbm>> -> memref<128xi32, #tpu.memory_space<hbm>>
      tpu.enqueue_dma source(%dma_start3A_112 : memref<128xi32, #tpu.memory_space<hbm>>) target(%arg7 : memref<128xi32, #tpu.memory_space<vmem>>) target_semaphore(%run_scoped3A : memref<!tpu.dma_semaphore, #tpu.memory_space<semaphore_mem>>)
      %dma_wait3A_113 = tpu.memref_slice %arg2[%mul3A_2] : memref<4096xi32, #tpu.memory_space<hbm>> -> memref<128xi32, #tpu.memory_space<hbm>>
      %dma_wait3A_114 = tpu.memref_slice %arg2[%mul3A_2] : memref<4096xi32, #tpu.memory_space<hbm>> -> memref<128xi32, #tpu.memory_space<hbm>>
      tpu.wait_dma2 semaphore(%run_scoped3A : memref<!tpu.dma_semaphore, #tpu.memory_space<semaphore_mem>>) src(%dma_wait3A_114 : memref<128xi32, #tpu.memory_space<hbm>>) dst(%arg7 : memref<128xi32, #tpu.memory_space<vmem>>)
      tpu.yield
    }) : () -> ()
    %dma_start3A_13 = arith.constant 0 : i32
    %dma_start3A_14 = arith.constant 0 : i32
    %dma_start3A_15 = tpu.memref_slice %arg3[%dma_start3A_13, %dma_start3A_14] : memref<100000x128xf32, #tpu.memory_space<hbm>> -> memref<100000x128xf32, #tpu.memory_space<hbm>>
    tpu.enqueue_indirect_dma source(%dma_start3A_15 : memref<100000x128xf32, #tpu.memory_space<hbm>>) target(%arg8 : memref<128x128xf32, #tpu.memory_space<vmem>>) offsets(%arg7 : memref<128xi32, #tpu.memory_space<vmem>>) semaphore(%arg11 : memref<!tpu.dma_semaphore, #tpu.memory_space<semaphore_mem>>)
    %dma_wait3A = arith.constant 0 : i32
    %dma_wait3A_16 = arith.constant 0 : i32
    %dma_wait3A_17 = tpu.memref_slice %arg4[%dma_wait3A, %dma_wait3A_16] : memref<100000x128xf32, #tpu.memory_space<hbm>> -> memref<2x128xf32, #tpu.memory_space<hbm>>
    %dma_wait3A_18 = arith.constant 0 : i32
    %dma_wait3A_19 = arith.constant 0 : i32
    %dma_wait3A_20 = tpu.memref_slice %arg4[%dma_wait3A_18, %dma_wait3A_19] : memref<100000x128xf32, #tpu.memory_space<hbm>> -> memref<2x128xf32, #tpu.memory_space<hbm>>
    tpu.wait_dma2 semaphore(%arg13 : memref<!tpu.dma_semaphore, #tpu.memory_space<semaphore_mem>>) src(%dma_wait3A_20 : memref<2x128xf32, #tpu.memory_space<hbm>>) dst(%arg10 : memref<2x128xf32, #tpu.memory_space<vmem>>)
    %get3A = arith.constant 0 : i32
    %get3A_21 = arith.index_cast %get3A : i32 to index
    %get3A_22 = arith.constant 0 : index
    %get3A_23 = tpu.vector_load %arg10[%get3A_21, %get3A_22] {strides = array<i32>} : memref<2x128xf32, #tpu.memory_space<vmem>>, vector<1x16xf32>,
    %get3A_24 = vector.shape_cast %get3A_23 : vector<1x16xf32> to vector<16xf32>
    %get3A_25 = arith.constant 0 : i32
    %get3A_26 = arith.index_cast %get3A_25 : i32 to index
    %get3A_27 = arith.constant 16 : index
    %get3A_28 = tpu.vector_load %arg10[%get3A_26, %get3A_27] {strides = array<i32>} : memref<2x128xf32, #tpu.memory_space<vmem>>, vector<1x16xf32>,
    %get3A_29 = vector.shape_cast %get3A_28 : vector<1x16xf32> to vector<16xf32>
    %get3A_30 = arith.constant 0 : i32
    %get3A_31 = arith.index_cast %get3A_30 : i32 to index
    %get3A_32 = arith.constant 32 : index
    %get3A_33 = tpu.vector_load %arg10[%get3A_31, %get3A_32] {strides = array<i32>} : memref<2x128xf32, #tpu.memory_space<vmem>>, vector<1x16xf32>,
    %get3A_34 = vector.shape_cast %get3A_33 : vector<1x16xf32> to vector<16xf32>
    %get3A_35 = arith.constant 0 : i32
    %get3A_36 = arith.index_cast %get3A_35 : i32 to index
    %get3A_37 = arith.constant 48 : index
    %get3A_38 = tpu.vector_load %arg10[%get3A_36, %get3A_37] {strides = array<i32>} : memref<2x128xf32, #tpu.memory_space<vmem>>, vector<1x16xf32>,
    %get3A_39 = vector.shape_cast %get3A_38 : vector<1x16xf32> to vector<16xf32>
    %get3A_40 = arith.constant 0 : i32
    %get3A_41 = arith.index_cast %get3A_40 : i32 to index
    %get3A_42 = arith.constant 64 : index
    %get3A_43 = tpu.vector_load %arg10[%get3A_41, %get3A_42] {strides = array<i32>} : memref<2x128xf32, #tpu.memory_space<vmem>>, vector<1x16xf32>,
    %get3A_44 = vector.shape_cast %get3A_43 : vector<1x16xf32> to vector<16xf32>
    %get3A_45 = arith.constant 0 : i32
    %get3A_46 = arith.index_cast %get3A_45 : i32 to index
    %get3A_47 = arith.constant 80 : index
    %get3A_48 = tpu.vector_load %arg10[%get3A_46, %get3A_47] {strides = array<i32>} : memref<2x128xf32, #tpu.memory_space<vmem>>, vector<1x16xf32>,
    %get3A_49 = vector.shape_cast %get3A_48 : vector<1x16xf32> to vector<16xf32>
    %get3A_50 = arith.constant 0 : i32
    %get3A_51 = arith.index_cast %get3A_50 : i32 to index
    %get3A_52 = arith.constant 96 : index
    %get3A_53 = tpu.vector_load %arg10[%get3A_51, %get3A_52] {strides = array<i32>} : memref<2x128xf32, #tpu.memory_space<vmem>>, vector<1x16xf32>,
    %get3A_54 = vector.shape_cast %get3A_53 : vector<1x16xf32> to vector<16xf32>
    %get3A_55 = arith.constant 0 : i32
    %get3A_56 = arith.index_cast %get3A_55 : i32 to index
    %get3A_57 = arith.constant 112 : index
    %get3A_58 = tpu.vector_load %arg10[%get3A_56, %get3A_57] {strides = array<i32>} : memref<2x128xf32, #tpu.memory_space<vmem>>, vector<1x16xf32>,
    %get3A_59 = vector.shape_cast %get3A_58 : vector<1x16xf32> to vector<16xf32>
    %get3A_60 = arith.constant 1 : i32
    %get3A_61 = arith.index_cast %get3A_60 : i32 to index
    %get3A_62 = arith.constant 0 : index
    %get3A_63 = tpu.vector_load %arg10[%get3A_61, %get3A_62] {strides = array<i32>} : memref<2x128xf32, #tpu.memory_space<vmem>>, vector<1x16xf32>,
    %get3A_64 = vector.shape_cast %get3A_63 : vector<1x16xf32> to vector<16xf32>
    %get3A_65 = arith.constant 1 : i32
    %get3A_66 = arith.index_cast %get3A_65 : i32 to index
    %get3A_67 = arith.constant 16 : index
    %get3A_68 = tpu.vector_load %arg10[%get3A_66, %get3A_67] {strides = array<i32>} : memref<2x128xf32, #tpu.memory_space<vmem>>, vector<1x16xf32>,
    %get3A_69 = vector.shape_cast %get3A_68 : vector<1x16xf32> to vector<16xf32>
    %get3A_70 = arith.constant 1 : i32
    %get3A_71 = arith.index_cast %get3A_70 : i32 to index
    %get3A_72 = arith.constant 32 : index
    %get3A_73 = tpu.vector_load %arg10[%get3A_71, %get3A_72] {strides = array<i32>} : memref<2x128xf32, #tpu.memory_space<vmem>>, vector<1x16xf32>,
    %get3A_74 = vector.shape_cast %get3A_73 : vector<1x16xf32> to vector<16xf32>
    %get3A_75 = arith.constant 1 : i32
    %get3A_76 = arith.index_cast %get3A_75 : i32 to index
    %get3A_77 = arith.constant 48 : index
    %get3A_78 = tpu.vector_load %arg10[%get3A_76, %get3A_77] {strides = array<i32>} : memref<2x128xf32, #tpu.memory_space<vmem>>, vector<1x16xf32>,
    %get3A_79 = vector.shape_cast %get3A_78 : vector<1x16xf32> to vector<16xf32>
    %get3A_80 = arith.constant 1 : i32
    %get3A_81 = arith.index_cast %get3A_80 : i32 to index
    %get3A_82 = arith.constant 64 : index
    %get3A_83 = tpu.vector_load %arg10[%get3A_81, %get3A_82] {strides = array<i32>} : memref<2x128xf32, #tpu.memory_space<vmem>>, vector<1x16xf32>,
    %get3A_84 = vector.shape_cast %get3A_83 : vector<1x16xf32> to vector<16xf32>
    %get3A_85 = arith.constant 1 : i32
    %get3A_86 = arith.index_cast %get3A_85 : i32 to index
    %get3A_87 = arith.constant 80 : index
    %get3A_88 = tpu.vector_load %arg10[%get3A_86, %get3A_87] {strides = array<i32>} : memref<2x128xf32, #tpu.memory_space<vmem>>, vector<1x16xf32>,
    %get3A_89 = vector.shape_cast %get3A_88 : vector<1x16xf32> to vector<16xf32>
    %get3A_90 = arith.constant 1 : i32
    %get3A_91 = arith.index_cast %get3A_90 : i32 to index
    %get3A_92 = arith.constant 96 : index
    %get3A_93 = tpu.vector_load %arg10[%get3A_91, %get3A_92] {strides = array<i32>} : memref<2x128xf32, #tpu.memory_space<vmem>>, vector<1x16xf32>,
    %get3A_94 = vector.shape_cast %get3A_93 : vector<1x16xf32> to vector<16xf32>
    %get3A_95 = arith.constant 1 : i32
    %get3A_96 = arith.index_cast %get3A_95 : i32 to index
    %get3A_97 = arith.constant 112 : index
    %get3A_98 = tpu.vector_load %arg10[%get3A_96, %get3A_97] {strides = array<i32>} : memref<2x128xf32, #tpu.memory_space<vmem>>, vector<1x16xf32>,
    %get3A_99 = vector.shape_cast %get3A_98 : vector<1x16xf32> to vector<16xf32>
    %sub3A = arith.constant 513 : i32
    %sub3A_100 = arith.subi %sub3A, %rem3A_3 : i32
    %jit3A = arith.constant 0 : i32
    %jit3A_101 = arith.constant 128 : i32
    %max3A = arith.maxsi %jit3A, %sub3A_100 : i32
    %min3A = arith.minsi %jit3A_101, %max3A : i32
    %dma_wait3A_102 = arith.constant 0 : i32
    %dma_wait3A_103 = tpu.memref_slice %arg5[%rem3A_3, %dma_wait3A_102] : memref<1024x128xf32, #tpu.memory_space<hbm>> -> memref<128x128xf32, #tpu.memory_space<hbm>>
    %dma_wait3A_104 = arith.constant 0 : i32
    %dma_wait3A_105 = tpu.memref_slice %arg5[%rem3A_3, %dma_wait3A_104] : memref<1024x128xf32, #tpu.memory_space<hbm>> -> memref<128x128xf32, #tpu.memory_space<hbm>>
    tpu.wait_dma2 semaphore(%arg12 : memref<!tpu.dma_semaphore, #tpu.memory_space<semaphore_mem>>) src(%dma_wait3A_105 : memref<128x128xf32, #tpu.memory_space<hbm>>) dst(%arg9 : memref<128x128xf32, #tpu.memory_space<vmem>>)
    %dma_wait3A_106 = arith.constant 0 : i32
    %dma_wait3A_107 = arith.constant 0 : i32
    %dma_wait3A_108 = tpu.memref_slice %arg3[%dma_wait3A_106, %dma_wait3A_107] : memref<100000x128xf32, #tpu.memory_space<hbm>> -> memref<100000x128xf32, #tpu.memory_space<hbm>>
    tpu.wait_indirect_dma semaphore(%arg11 : memref<!tpu.dma_semaphore, #tpu.memory_space<semaphore_mem>>) src(%dma_wait3A_108 : memref<100000x128xf32, #tpu.memory_space<hbm>>) dst(%arg8 : memref<128x128xf32, #tpu.memory_space<vmem>>)
    %parallel_loop3A = arith.constant 0 : i32
    %parallel_loop3A_109 = arith.constant 128 : i32
    %parallel_loop3A_110 = arith.constant 1 : i32
    scf.for %parallel_loop3A_111 = %parallel_loop3A to %parallel_loop3A_109 step %parallel_loop3A_110  : i32 {
      %parallel_loop3A_112 = arith.cmpi sge, %parallel_loop3A_111, %min3A : i32
      %parallel_loop3A_113 = arith.select %parallel_loop3A_112, %get3A_64, %get3A_24 : vector<16xf32>
      %parallel_loop3A_114 = arith.index_cast %parallel_loop3A_111 : i32 to index
      %parallel_loop3A_115 = arith.constant 0 : index
      %parallel_loop3A_116 = tpu.vector_load %arg9[%parallel_loop3A_114, %parallel_loop3A_115] {strides = array<i32>} : memref<128x128xf32, #tpu.memory_space<vmem>>, vector<1x16xf32>,
      %parallel_loop3A_117 = vector.shape_cast %parallel_loop3A_116 : vector<1x16xf32> to vector<16xf32>
      %parallel_loop3A_118 = arith.addf %parallel_loop3A_117, %parallel_loop3A_113 : vector<16xf32>
      %parallel_loop3A_119 = arith.index_cast %parallel_loop3A_111 : i32 to index
      %parallel_loop3A_120 = arith.constant 0 : index
      %parallel_loop3A_121 = tpu.vector_load %arg8[%parallel_loop3A_119, %parallel_loop3A_120] {strides = array<i32>} : memref<128x128xf32, #tpu.memory_space<vmem>>, vector<1x16xf32>,
      %parallel_loop3A_122 = vector.shape_cast %parallel_loop3A_121 : vector<1x16xf32> to vector<16xf32>
      %parallel_loop3A_123 = vector.shape_cast %parallel_loop3A_118 : vector<16xf32> to vector<1x16xf32>
      tpu.vector_store %arg8[%parallel_loop3A_119, %parallel_loop3A_120], %parallel_loop3A_123 {add = true, strides = array<i32>} : memref<128x128xf32, #tpu.memory_space<vmem>>, vector<1x16xf32>,
      %parallel_loop3A_124 = arith.select %parallel_loop3A_112, %get3A_69, %get3A_29 : vector<16xf32>
      %parallel_loop3A_125 = arith.index_cast %parallel_loop3A_111 : i32 to index
      %parallel_loop3A_126 = arith.constant 16 : index
      %parallel_loop3A_127 = tpu.vector_load %arg9[%parallel_loop3A_125, %parallel_loop3A_126] {strides = array<i32>} : memref<128x128xf32, #tpu.memory_space<vmem>>, vector<1x16xf32>,
      %parallel_loop3A_128 = vector.shape_cast %parallel_loop3A_127 : vector<1x16xf32> to vector<16xf32>
      %parallel_loop3A_129 = arith.addf %parallel_loop3A_128, %parallel_loop3A_124 : vector<16xf32>
      %parallel_loop3A_130 = arith.index_cast %parallel_loop3A_111 : i32 to index
      %parallel_loop3A_131 = arith.constant 16 : index
      %parallel_loop3A_132 = tpu.vector_load %arg8[%parallel_loop3A_130, %parallel_loop3A_131] {strides = array<i32>} : memref<128x128xf32, #tpu.memory_space<vmem>>, vector<1x16xf32>,
      %parallel_loop3A_133 = vector.shape_cast %parallel_loop3A_132 : vector<1x16xf32> to vector<16xf32>
      %parallel_loop3A_134 = vector.shape_cast %parallel_loop3A_129 : vector<16xf32> to vector<1x16xf32>
      tpu.vector_store %arg8[%parallel_loop3A_130, %parallel_loop3A_131], %parallel_loop3A_134 {add = true, strides = array<i32>} : memref<128x128xf32, #tpu.memory_space<vmem>>, vector<1x16xf32>,
      %parallel_loop3A_135 = arith.select %parallel_loop3A_112, %get3A_74, %get3A_34 : vector<16xf32>
      %parallel_loop3A_136 = arith.index_cast %parallel_loop3A_111 : i32 to index
      %parallel_loop3A_137 = arith.constant 32 : index
      %parallel_loop3A_138 = tpu.vector_load %arg9[%parallel_loop3A_136, %parallel_loop3A_137] {strides = array<i32>} : memref<128x128xf32, #tpu.memory_space<vmem>>, vector<1x16xf32>,
      %parallel_loop3A_139 = vector.shape_cast %parallel_loop3A_138 : vector<1x16xf32> to vector<16xf32>
      %parallel_loop3A_140 = arith.addf %parallel_loop3A_139, %parallel_loop3A_135 : vector<16xf32>
      %parallel_loop3A_141 = arith.index_cast %parallel_loop3A_111 : i32 to index
      %parallel_loop3A_142 = arith.constant 32 : index
      %parallel_loop3A_143 = tpu.vector_load %arg8[%parallel_loop3A_141, %parallel_loop3A_142] {strides = array<i32>} : memref<128x128xf32, #tpu.memory_space<vmem>>, vector<1x16xf32>,
      %parallel_loop3A_144 = vector.shape_cast %parallel_loop3A_143 : vector<1x16xf32> to vector<16xf32>
      %parallel_loop3A_145 = vector.shape_cast %parallel_loop3A_140 : vector<16xf32> to vector<1x16xf32>
      tpu.vector_store %arg8[%parallel_loop3A_141, %parallel_loop3A_142], %parallel_loop3A_145 {add = true, strides = array<i32>} : memref<128x128xf32, #tpu.memory_space<vmem>>, vector<1x16xf32>,
      %parallel_loop3A_146 = arith.select %parallel_loop3A_112, %get3A_79, %get3A_39 : vector<16xf32>
      %parallel_loop3A_147 = arith.index_cast %parallel_loop3A_111 : i32 to index
      %parallel_loop3A_148 = arith.constant 48 : index
      %parallel_loop3A_149 = tpu.vector_load %arg9[%parallel_loop3A_147, %parallel_loop3A_148] {strides = array<i32>} : memref<128x128xf32, #tpu.memory_space<vmem>>, vector<1x16xf32>,
      %parallel_loop3A_150 = vector.shape_cast %parallel_loop3A_149 : vector<1x16xf32> to vector<16xf32>
      %parallel_loop3A_151 = arith.addf %parallel_loop3A_150, %parallel_loop3A_146 : vector<16xf32>
      %parallel_loop3A_152 = arith.index_cast %parallel_loop3A_111 : i32 to index
      %parallel_loop3A_153 = arith.constant 48 : index
      %parallel_loop3A_154 = tpu.vector_load %arg8[%parallel_loop3A_152, %parallel_loop3A_153] {strides = array<i32>} : memref<128x128xf32, #tpu.memory_space<vmem>>, vector<1x16xf32>,
      %parallel_loop3A_155 = vector.shape_cast %parallel_loop3A_154 : vector<1x16xf32> to vector<16xf32>
      %parallel_loop3A_156 = vector.shape_cast %parallel_loop3A_151 : vector<16xf32> to vector<1x16xf32>
      tpu.vector_store %arg8[%parallel_loop3A_152, %parallel_loop3A_153], %parallel_loop3A_156 {add = true, strides = array<i32>} : memref<128x128xf32, #tpu.memory_space<vmem>>, vector<1x16xf32>,
      %parallel_loop3A_157 = arith.select %parallel_loop3A_112, %get3A_84, %get3A_44 : vector<16xf32>
      %parallel_loop3A_158 = arith.index_cast %parallel_loop3A_111 : i32 to index
      %parallel_loop3A_159 = arith.constant 64 : index
      %parallel_loop3A_160 = tpu.vector_load %arg9[%parallel_loop3A_158, %parallel_loop3A_159] {strides = array<i32>} : memref<128x128xf32, #tpu.memory_space<vmem>>, vector<1x16xf32>,
      %parallel_loop3A_161 = vector.shape_cast %parallel_loop3A_160 : vector<1x16xf32> to vector<16xf32>
      %parallel_loop3A_162 = arith.addf %parallel_loop3A_161, %parallel_loop3A_157 : vector<16xf32>
      %parallel_loop3A_163 = arith.index_cast %parallel_loop3A_111 : i32 to index
      %parallel_loop3A_164 = arith.constant 64 : index
      %parallel_loop3A_165 = tpu.vector_load %arg8[%parallel_loop3A_163, %parallel_loop3A_164] {strides = array<i32>} : memref<128x128xf32, #tpu.memory_space<vmem>>, vector<1x16xf32>,
      %parallel_loop3A_166 = vector.shape_cast %parallel_loop3A_165 : vector<1x16xf32> to vector<16xf32>
      %parallel_loop3A_167 = vector.shape_cast %parallel_loop3A_162 : vector<16xf32> to vector<1x16xf32>
      tpu.vector_store %arg8[%parallel_loop3A_163, %parallel_loop3A_164], %parallel_loop3A_167 {add = true, strides = array<i32>} : memref<128x128xf32, #tpu.memory_space<vmem>>, vector<1x16xf32>,
      %parallel_loop3A_168 = arith.select %parallel_loop3A_112, %get3A_89, %get3A_49 : vector<16xf32>
      %parallel_loop3A_169 = arith.index_cast %parallel_loop3A_111 : i32 to index
      %parallel_loop3A_170 = arith.constant 80 : index
      %parallel_loop3A_171 = tpu.vector_load %arg9[%parallel_loop3A_169, %parallel_loop3A_170] {strides = array<i32>} : memref<128x128xf32, #tpu.memory_space<vmem>>, vector<1x16xf32>,
      %parallel_loop3A_172 = vector.shape_cast %parallel_loop3A_171 : vector<1x16xf32> to vector<16xf32>
      %parallel_loop3A_173 = arith.addf %parallel_loop3A_172, %parallel_loop3A_168 : vector<16xf32>
      %parallel_loop3A_174 = arith.index_cast %parallel_loop3A_111 : i32 to index
      %parallel_loop3A_175 = arith.constant 80 : index
      %parallel_loop3A_176 = tpu.vector_load %arg8[%parallel_loop3A_174, %parallel_loop3A_175] {strides = array<i32>} : memref<128x128xf32, #tpu.memory_space<vmem>>, vector<1x16xf32>,
      %parallel_loop3A_177 = vector.shape_cast %parallel_loop3A_176 : vector<1x16xf32> to vector<16xf32>
      %parallel_loop3A_178 = vector.shape_cast %parallel_loop3A_173 : vector<16xf32> to vector<1x16xf32>
      tpu.vector_store %arg8[%parallel_loop3A_174, %parallel_loop3A_175], %parallel_loop3A_178 {add = true, strides = array<i32>} : memref<128x128xf32, #tpu.memory_space<vmem>>, vector<1x16xf32>,
      %parallel_loop3A_179 = arith.select %parallel_loop3A_112, %get3A_94, %get3A_54 : vector<16xf32>
      %parallel_loop3A_180 = arith.index_cast %parallel_loop3A_111 : i32 to index
      %parallel_loop3A_181 = arith.constant 96 : index
      %parallel_loop3A_182 = tpu.vector_load %arg9[%parallel_loop3A_180, %parallel_loop3A_181] {strides = array<i32>} : memref<128x128xf32, #tpu.memory_space<vmem>>, vector<1x16xf32>,
      %parallel_loop3A_183 = vector.shape_cast %parallel_loop3A_182 : vector<1x16xf32> to vector<16xf32>
      %parallel_loop3A_184 = arith.addf %parallel_loop3A_183, %parallel_loop3A_179 : vector<16xf32>
      %parallel_loop3A_185 = arith.index_cast %parallel_loop3A_111 : i32 to index
      %parallel_loop3A_186 = arith.constant 96 : index
      %parallel_loop3A_187 = tpu.vector_load %arg8[%parallel_loop3A_185, %parallel_loop3A_186] {strides = array<i32>} : memref<128x128xf32, #tpu.memory_space<vmem>>, vector<1x16xf32>,
      %parallel_loop3A_188 = vector.shape_cast %parallel_loop3A_187 : vector<1x16xf32> to vector<16xf32>
      %parallel_loop3A_189 = vector.shape_cast %parallel_loop3A_184 : vector<16xf32> to vector<1x16xf32>
      tpu.vector_store %arg8[%parallel_loop3A_185, %parallel_loop3A_186], %parallel_loop3A_189 {add = true, strides = array<i32>} : memref<128x128xf32, #tpu.memory_space<vmem>>, vector<1x16xf32>,
      %parallel_loop3A_190 = arith.select %parallel_loop3A_112, %get3A_99, %get3A_59 : vector<16xf32>
      %parallel_loop3A_191 = arith.index_cast %parallel_loop3A_111 : i32 to index
      %parallel_loop3A_192 = arith.constant 112 : index
      %parallel_loop3A_193 = tpu.vector_load %arg9[%parallel_loop3A_191, %parallel_loop3A_192] {strides = array<i32>} : memref<128x128xf32, #tpu.memory_space<vmem>>, vector<1x16xf32>,
      %parallel_loop3A_194 = vector.shape_cast %parallel_loop3A_193 : vector<1x16xf32> to vector<16xf32>
      %parallel_loop3A_195 = arith.addf %parallel_loop3A_194, %parallel_loop3A_190 : vector<16xf32>
      %parallel_loop3A_196 = arith.index_cast %parallel_loop3A_111 : i32 to index
      %parallel_loop3A_197 = arith.constant 112 : index
      %parallel_loop3A_198 = tpu.vector_load %arg8[%parallel_loop3A_196, %parallel_loop3A_197] {strides = array<i32>} : memref<128x128xf32, #tpu.memory_space<vmem>>, vector<1x16xf32>,
      %parallel_loop3A_199 = vector.shape_cast %parallel_loop3A_198 : vector<1x16xf32> to vector<16xf32>
      %parallel_loop3A_200 = vector.shape_cast %parallel_loop3A_195 : vector<16xf32> to vector<1x16xf32>
      tpu.vector_store %arg8[%parallel_loop3A_196, %parallel_loop3A_197], %parallel_loop3A_200 {add = true, strides = array<i32>} : memref<128x128xf32, #tpu.memory_space<vmem>>, vector<1x16xf32>,
    } {sc.loop_unroll_factor = 1 : i64, sc.parallel_access}
    "tpu.region"() ({
      %run_scoped3A = tpu.sem_alloc : memref<!tpu.dma_semaphore, #tpu.memory_space<semaphore_mem>>
      %dma_start3A_111 = arith.constant 0 : i32
      %dma_start3A_112 = tpu.memref_slice %arg6[%mul3A_2, %dma_start3A_111] : memref<4096x128xf32, #tpu.memory_space<hbm>> -> memref<128x128xf32, #tpu.memory_space<hbm>>
      %dma_start3A_113 = arith.constant 0 : i32
      %dma_start3A_114 = tpu.memref_slice %arg6[%mul3A_2, %dma_start3A_113] : memref<4096x128xf32, #tpu.memory_space<hbm>> -> memref<128x128xf32, #tpu.memory_space<hbm>>
      tpu.enqueue_dma source(%arg8 : memref<128x128xf32, #tpu.memory_space<vmem>>) target(%dma_start3A_114 : memref<128x128xf32, #tpu.memory_space<hbm>>) target_semaphore(%run_scoped3A : memref<!tpu.dma_semaphore, #tpu.memory_space<semaphore_mem>>)
      %dma_wait3A_115 = arith.constant 0 : i32
      %dma_wait3A_116 = tpu.memref_slice %arg6[%mul3A_2, %dma_wait3A_115] : memref<4096x128xf32, #tpu.memory_space<hbm>> -> memref<128x128xf32, #tpu.memory_space<hbm>>
      %dma_wait3A_117 = arith.constant 0 : i32
      %dma_wait3A_118 = tpu.memref_slice %arg6[%mul3A_2, %dma_wait3A_117] : memref<4096x128xf32, #tpu.memory_space<hbm>> -> memref<128x128xf32, #tpu.memory_space<hbm>>
      tpu.wait_dma2 semaphore(%run_scoped3A : memref<!tpu.dma_semaphore, #tpu.memory_space<semaphore_mem>>) src(%arg8 : memref<128x128xf32, #tpu.memory_space<vmem>>) dst(%dma_wait3A_118 : memref<128x128xf32, #tpu.memory_space<hbm>>)
      tpu.yield
    }) : () -> ()
    return
  }
}

</mosaic_0001>

<sc_bundles>
// kernel: _lookup.3.cloned.1.call-start
scs
__scs_entry_jumppad:
0x0: {  	(pc) =	sbr.rel $0x88, $3  }
0x1: {  	(tag) =	ssettag $0x0;
	lr =	simm.s32 $0x1  }
0x2: {  	[smem:$0x3F9D] =	sst lr;
	_ =	strace $0xD0000000  }
0x3: {  	_ = 	snop  }
0x4: {  	_ = 	snop  }
0x5: {  	_ = 	snop  }
0x6: {  	_ = 	snop  }
0x7: {  	_ = 	snop  }
__scs_overlays_trampoline_lowered:
0x8: {  	[smem:$0x3FAC] =	sst s0  }
0x9: {  	[smem:$0x3FAD] =	sst s1  }
0xa: {  	[smem:$0x3FAE] =	sst s2  }
0xb: {  	[smem:$0x3FAF] =	sst s3  }
0xc: {  	[smem:$0x3FB0] =	sst s4  }
0xd: {  	[smem:$0x3FB1] =	sst s5  }
0xe: {  	[smem:$0x3FB2] =	sst s6  }
0xf: {  	[smem:$0x3FB3] =	sst s7  }
0x10: {  	[smem:$0x3FB4] =	sst s8  }
0x11: {  	[smem:$0x3FB5] =	sst s9;
	s0 =	simm.s32 @!p0 $0x0  }
0x12: {  	s1 =	sld [smem:$0x3F9B];
	s0 =	simm.s32 @p0 $0x1  }
0x13: {  	[smem:$0x3FB6] =	sst s0;
	s0 =	simm.s32 @!p1 $0x0  }
0x14: {  	s2 =	sld [smem:$0x3F9A];
	s0 =	simm.s32 @p1 $0x1  }
0x15: {  	[smem:$0x3FB7] =	sst s0;
	s0 =	simm.s32 @!p2 $0x0  }
0x16: {  	s3 =	sld [smem:$0x3FDB];
	s0 =	simm.s32 @p2 $0x1  }
0x17: {  	s4 =	simm.s32 $0x1BF5;
	[smem:$0x3FB9] =	sst s0  }
0x18: {  	s0 =	sld [smem:$0x3F9C];
	_ =	swait.ge [sflag:s4], $0x0  }
0x19: {  	s7 =	sld [smem:$0x3F9D]  }
0x1a: {  	s8 =	sadd.s32 $0xFFFFE003, lr  }
0x1b: {  	s9 =	sadd.s32 $0xFFFFFEF7, lr;
	s5 =	simm.s32 $0xFFFFFFFF;
	p2 =	slt.u32 s8, $0xFFFFF086  }
0x1c: {  	p1 =	slt.u32 s9, $0xF7A;
	s5 =	simm.s32 @!p2 $0x0  }
0x1d: {  	s5 =	simm.s32 @p1 $0x1;
	p0 =	seq.s32 s7, s2  }
0x1e: {  	s7 =	smul.u32 @!p0 $0xF7A, s2;
	p2 =	seq.s32 @!p0 s5, $0x0  }
0x1f: {  	s9 =	smul.u32 $0xF7A, s1;
	s8 =	simm.s32 @!p0 $0x1BF5;
	p2 =	por !p2, p0  }
0x20: {  	[sflag:s8] =	ssyncset.s32 @!p0 $0xFFFFF086;
	s6 =	sadd.s32 @!p0 s3, s7;
	s7 =	simm.s32 @!p0 $0x108  }
0x21: {  	s3 =	sadd.s32 s3, s9;
	s6 =	sadd.s32 @!p0 $0x88, s6;
	s7 =	simm.s32 @p2 $0x1082  }
0x22: {  	[simem:s7], [sflag:s8] =	dma.local @!p0 [hbm:s6], $0xF7A  }
0x23: {  	s9 =	sor.u32 $0xD0000000, s2;
	s6 =	simm.s32 $0x108;
	_ =	swait.ge @!p0 [sflag:s8], $0x0  }
0x24: {  	s3 =	sadd.s32 $0x88, s3;
	s6 =	simm.s32 @!p1 $0x1082;
	[sflag:s4] =	ssyncset.s32 $0xFFFFF086  }
0x25: {  	[simem:s6], [sflag:s4] =	dma.local [hbm:s3], $0xF7A  }
0x26: {  	[smem:$0x3F9D] =	sst s1;
	(tag) =	ssettag s2;
	_ =	strace s9  }
0x27: {  	s1 =	sld [smem:$0x3FAD]  }
0x28: {  	s2 =	sld [smem:$0x3FAE]  }
0x29: {  	s4 =	sld [smem:$0x3FB0]  }
0x2a: {  	p0 =	seq.s32 s5, $0x0;
	s5 =	sld [smem:$0x3FB1]  }
0x2b: {  	s6 =	sld [smem:$0x3FB2]  }
0x2c: {  	s7 =	sld [smem:$0x3FB3]  }
0x2d: {  	s3 =	simm.s32 $0x108;
	s8 =	sld [smem:$0x3FB4]  }
0x2e: {  	s3 =	simm.s32 @!p0 $0x1082;
	s9 =	sld [smem:$0x3FB5]  }
0x2f: {  	lr =	sadd.s32 s0, s3;
	s0 =	sld [smem:$0x3FAC]  }
0x30: {  	s3 =	sld [smem:$0x3FAF]  }
0x31: {  	[smem:$0x3FB8] =	sst s10  }
0x32: {  	s10 =	sld [smem:$0x3FB6];
	_ =	sdelay $0x3  }
0x33: {  	p0 =	seq.s32 s10, $0x1;
	s10 =	sld [smem:$0x3FB8];
	_ =	sdelay $0x3  }
0x34: {  	[smem:$0x3FB8] =	sst s10  }
0x35: {  	s10 =	sld [smem:$0x3FB7];
	_ =	sdelay $0x3  }
0x36: {  	p1 =	seq.s32 s10, $0x1;
	s10 =	sld [smem:$0x3FB8];
	_ =	sdelay $0x3  }
0x37: {  	[smem:$0x3FB8] =	sst s10  }
0x38: {  	s10 =	sld [smem:$0x3FB9]  }
0x39: {  	_ = 	snop;
	(pc) =	sbr.ind lr, $3  }
0x3a: {  	_ = 	snop  }
0x3b: {  	_ = 	snop  }
0x3c: {  	p2 =	seq.s32 s10, $0x1;
	s10 =	sld [smem:$0x3FB8]  }
0x3d: {  	_ =	shalt  }
0x3e: {  	_ =	shalt  }
0x3f: {  	_ =	shalt  }
0x40: {  	_ =	shalt  }
0x41: {  	_ =	shalt  }
0x42: {  	_ =	shalt  }
0x43: {  	_ =	shalt  }
0x44: {  	_ =	shalt  }
0x45: {  	_ =	shalt  }
0x46: {  	_ =	shalt  }
0x47: {  	_ =	shalt  }
0x48: {  	_ =	shalt  }
0x49: {  	_ =	shalt  }
0x4a: {  	_ =	shalt  }
0x4b: {  	_ =	shalt  }
0x4c: {  	_ =	shalt  }
0x4d: {  	_ =	shalt  }
0x4e: {  	_ =	shalt  }
0x4f: {  	_ =	shalt  }
0x50: {  	_ =	shalt  }
0x51: {  	_ =	shalt  }
0x52: {  	_ =	shalt  }
0x53: {  	_ =	shalt  }
0x54: {  	_ =	shalt  }
0x55: {  	_ =	shalt  }
0x56: {  	_ =	shalt  }
0x57: {  	_ =	shalt  }
0x58: {  	_ =	shalt  }
0x59: {  	_ =	shalt  }
0x5a: {  	_ =	shalt  }
0x5b: {  	_ =	shalt  }
0x5c: {  	_ =	shalt  }
0x5d: {  	_ =	shalt  }
0x5e: {  	_ =	shalt  }
0x5f: {  	_ =	shalt  }
0x60: {  	_ =	shalt  }
0x61: {  	_ =	shalt  }
0x62: {  	_ =	shalt  }
0x63: {  	_ =	shalt  }
0x64: {  	_ =	shalt  }
0x65: {  	_ =	shalt  }
0x66: {  	_ =	shalt  }
0x67: {  	_ =	shalt  }
0x68: {  	_ =	shalt  }
0x69: {  	_ =	shalt  }
0x6a: {  	_ =	shalt  }
0x6b: {  	_ =	shalt  }
0x6c: {  	_ =	shalt  }
0x6d: {  	_ =	shalt  }
0x6e: {  	_ =	shalt  }
0x6f: {  	_ =	shalt  }
0x70: {  	_ =	shalt  }
0x71: {  	_ =	shalt  }
0x72: {  	_ =	shalt  }
0x73: {  	_ =	shalt  }
0x74: {  	_ =	shalt  }
0x75: {  	_ =	shalt  }
0x76: {  	_ =	shalt  }
0x77: {  	_ =	shalt  }
0x78: {  	_ =	shalt  }
0x79: {  	_ =	shalt  }
0x7a: {  	_ =	shalt  }
0x7b: {  	_ =	shalt  }
0x7c: {  	_ =	shalt  }
0x7d: {  	_ =	shalt  }
0x7e: {  	_ =	shalt  }
0x7f: {  	_ =	shalt  }
0x80: {  	_ =	shalt  }
0x81: {  	_ =	shalt  }
0x82: {  	_ =	shalt  }
0x83: {  	_ =	shalt  }
0x84: {  	_ =	shalt  }
0x85: {  	_ =	shalt  }
0x86: {  	_ =	shalt  }
0x87: {  	_ =	shalt  }
.Lfunc_end0:
.L_simem_size_0:
called_computation_lowered:
.L_overlay_start_0:
0x88: {  	s2 =	sld [smem:$0x3FD9]  }
0x89: {  	s3 =	sld [smem:$0x3FFE];
	_ =	sdelay $0x1  }
0x8a: {  	s1 =	srdreg.scid  }
0x8b: {  	s0 =	sand.u32 $0x1, s1  }
0x8c: {  	s18 =	sshll.u32 s0, $0xA;
	s2 =	sadd.s32 s3, s2  }
0x8d: {  	s2 =	sadd.s32 s2, s18  }
0x8e: {  	[smem:$0x3FC4] =	sst s2  }
0x8f: {  	_ = 	snop  }
0x90: {  	s2 =	sld [smem:$0x3FC9]  }
0x91: {  	s19 =	sld [smem:$0x3FC8]  }
0x92: {  	s4 =	sld [smem:$0x3FC7]  }
0x93: {  	s5 =	sld [smem:$0x3FC6]  }
0x94: {  	s6 =	sld [smem:$0x3FD0];
	(tm) =	ssettm $0x1  }
0x95: {  	s7 =	sld [smem:$0x3FFB];
	_ =	sdelay $0x3  }
0x96: {  	_ =	strace s7  }
0x97: {  	s7 =	sld [smem:$0x3FFC];
	_ =	sdelay $0x3  }
0x98: {  	_ =	strace s7  }
0x99: {  	s7 =	sld [smem:$0x3FFD];
	_ =	sdelay $0x3  }
0x9a: {  	_ =	strace s7  }
0x9b: {  	_ =	strace $0x8FFFFFFF  }
0x9c: {  	s20 =	sld [smem:$0x3FDB];
	_ =	sdelay $0x1  }
0x9d: {  	s8 =	simm.s32 $_scs_section_size  }
0x9e: {  	s9 =	simm.s32 $_size__tile_overlayer_lowered;
	s10 =	simm.s32 $_tile_overlayer_lowered  }
0x9f: {  	s23 =	simm.s32 $0x1BFF;
	s22 =	sshll.u32 s10, $0x1;
	s7 =	sadd.s32 s8, s20  }
0xa0: {  	s11 =	simm.s32 $0x0;
	s21 =	sshll.u32 s9, $0x1;
	s9 =	sadd.s32 s22, s7  }
0xa1: {  	[timem:s11], [sflag:s23] =	dma.local [hbm:s9], s21  }
0xa2: {  	_ =	swait.ge [sflag:s23], s21  }
0xa3: {  	s8 =	ssub.s32 $0x0, s21;
	[sflag:s23] =	ssyncset.done $0x0  }
0xa4: {  	[sflag:s23] =	ssyncadd.s32 s8;
	_ =	sdelay $0x1  }
0xa5: {  	s24 =	simm.s32 $0x1B8B  }
0xa6: {  	_ =	swait.ge [sflag:s24], $0x1  }
0xa7: {  	[sflag:s24] =	ssyncset.done $0x0  }
0xa8: {  	s25 =	simm.s32 $0x1B8E;
	[sflag:s24] =	ssyncadd.s32 $0xFFFFFFFF  }
0xa9: {  	s26 =	simm.s32 $execute0_lowered;
	[smem:$0x3FD2] =	sst s25  }
0xaa: {  	s8 =	sshll.u32 s26, $0x1;
	_ =	strace $0x80000046;
	[dreg:$0x1] =	wrdreg $0xFFFFFFFF  }
0xab: {  	s28 =	simm.s32 $_size_execute0_lowered;
	s7 =	sadd.s32 s7, s8;
	[dreg:$0x0] =	wrdreg $0x0  }
0xac: {  	s8 =	sshll.u32 s28, $0x1;
	[dreg:$0x2] =	wrdreg s7  }
0xad: {  	[dreg:$0x3] =	wrdreg s8  }
0xae: {  	[dreg:$0x4] =	wrdreg $0xC0  }
0xaf: {  	_ =	task [dreg:s11], $0x5FFFF  }
0xb0: {  	[dreg:$0x1] =	wrdreg $0xFFFFFFFF  }
0xb1: {  	[dreg:$0x0] =	wrdreg $0x60  }
0xb2: {  	[dreg:$0x2] =	wrdreg s2  }
0xb3: {  	[dreg:$0x3] =	wrdreg s19  }
0xb4: {  	[dreg:$0x4] =	wrdreg s4  }
0xb5: {  	[dreg:$0x5] =	wrdreg s5  }
0xb6: {  	[dreg:$0x6] =	wrdreg s6  }
0xb7: {  	[dreg:$0x7] =	wrdreg $0x9  }
0xb8: {  	_ =	task.clear_ibuf [dreg:s11], $0x8FFFF;
	_ =	strace $0x90000046  }
0xb9: {  	s29 =	simm.s32 $0x9;
	_ =	strace $0x80000048  }
0xba: {  	_ =	swait.ge [sflag:s29], $0x1  }
0xbb: {  	[sflag:s29] =	ssyncadd.s32 $0xFFFFFFFF  }
0xbc: {  	_ =	strace $0x90000048  }
0xbd: {  	_ =	sfence  }
0xbe: {  	s30 =	sld [smem:$0x0];
	_ =	sdelay $0x2  }
0xbf: {  	s31 =	sshll.u32 s1, $0xD;
	s1 =	sshrl.u32 s1, $0x2  }
0xc0: {  	s3 =	sand.u32 $0x4000, s31;
	s1 =	sadd.s32 s1, s30  }
0xc1: {  	s0 =	sor.u32 s3, s0;
	s1 =	sshll.u32 s1, $0x11  }
0xc2: {  	s0 =	sor.u32 s1, s0  }
0xc3: {  	s0 =	sadd.s32 $0x8F2B, s0  }
0xc4: {  	[sflag:s0] =	ssyncadd.remote.s32 $0x1  }
0xc5: {  	_ =	sfence.sel $0xFFFF  }
0xc6: {  	[dreg:$0x0] =	wrdreg $0xFFFFFFFF;
	(pc) =	sbr.abs _section_cstart, $3  }
0xc7: {  	[dreg:$0x1] =	wrdreg $0xFFFFFFFF  }
0xc8: {  	_ =	task.clear_ibuf [dreg:s11], $0x2FFFF;
	_ =	strace $0x9FFFFFFF  }
0xc9: {  	(tm) =	ssettm $0x7FFFFFFF  }
tec
execute0_lowered:
.L_overlay_start_1:
0x0: {  	(tag) =	ssettag $0x1  }
0x1: {  	s6 =	rddreg [dreg:$0x0]  }
0x2: {  	s0 =	rddreg [dreg:$0x1]  }
0x3: {  	s3 =	rddreg [dreg:$0x2]  }
0x4: {  	s5 =	rddreg [dreg:$0x3];
	s1 =	srdreg.scid  }
0x5: {  	s8 =	rddreg [dreg:$0x4];
	s2 =	stileid.u32;
	s4 =	simm.s32 $0x0  }
0x6: {  	s12 =	simm.s32 $0x4;
	s13 =	simm.s32 $0x80;
	s14 =	simm.s32 $0x3  }
0x7: {  	s15 =	simm.s32 $0x2;
	s16 =	simm.s32 $0x1;
	s17 =	simm.s32 $0x0  }
0x8: {  	s7 =	sand.u32 $0x1, s1;
	s1 =	rddreg [dreg:$0x5];
	s9 =	sshll.u32 s2, $0x8  }
0x9: {  	[smem:$0x7FF] =	sst s4;
	s10 =	sshll.u32 s7, $0x7;
	s7 =	ssub.s32 $0x2, s7  }
0xa: {  	_ =	strace $0x80000047;
	s9 =	sor.u32 s10, s9;
	s29 =	sshrl.u32 s7, $0x1  }
0xb: {  	s11 =	sand.u32 $0x380, s9;
	s10 =	ssub.s32 s7, s29;
	s31 =	sshrl.u32 s9, $0x3  }
0xc: {  	s9 =	sshll.u32 s9, $0x4;
	s30 =	sshll.u32 s11, $0x4;
	s6 =	sadd.s32 s6, s31  }
0xd: {  	s7 =	ssub.s32 $0x201, s11;
	s8 =	sadd.s32 s8, s9;
	s9 =	smax.u32 s10, $0x1  }
0xe: {  	s10 =	simm.s32 $0x4080;
	s11 =	simm.s32 $0x8080;
	s5 =	sadd.s32 s5, s30  }
.LBB2_1:
0xf: {  	[tilespmem:s10], [sflag:$0x2] =	stream.linear.gather [hbm4b:s5+s4], $0x4000, $0x38;
	[tilespmem:$0x8180] =	vst v63  }
0x10: {  	_ = 	snop  }
0x11: {  	[tilespmem:s11], [sflag:$0x3] =	stream.linear.gather [hbm4b:s3+s4], $0x100, $0x38;
	[tilespmem:$0x8180] =	vst v63  }
0x12: {  	_ = 	snop  }
0x13: {  	[tilespmem:s4], [sflag:$0x4] =	stream.linear.gather [hbm4b:s6+s4], $0x80, $0x38;
	[tilespmem:$0x8180] =	vst v63  }
0x14: {  	_ =	swait.ge [sflag:s12], $0x80  }
0x15: {  	[sflag:s12] =	ssyncset.done $0x0  }
0x16: {  	[sflag:s12] =	ssyncadd.s32 $0xFFFFFF80  }
0x17: {  	[tilespmem:s13], [sflag:$0x1] =	stream.indirect.gather [hbm4b:s0+s13], $0x80, s4, s13, $0xb8;
	[tilespmem:$0x8180] =	vst v63  }
0x18: {  	_ =	swait.ge [sflag:s14], $0x100  }
0x19: {  	[sflag:s14] =	ssyncset.done $0x0  }
0x1a: {  	[sflag:s14] =	ssyncadd.s32 $0xFFFFFF00  }
0x1b: {  	v8 =	vld [tilespmem:$0x8080]  }
0x1c: {  	v6 =	vld [tilespmem:$0x8090]  }
0x1d: {  	v4 =	vld [tilespmem:$0x80A0]  }
0x1e: {  	v3 =	vld [tilespmem:$0x80B0]  }
0x1f: {  	v2 =	vld [tilespmem:$0x80C0]  }
0x20: {  	v1 =	vld [tilespmem:$0x80D0]  }
0x21: {  	v0 =	vld [tilespmem:$0x80E0]  }
0x22: {  	v14 =	vld [tilespmem:$0x80F0]  }
0x23: {  	v13 =	vld [tilespmem:$0x8100]  }
0x24: {  	v12 =	vld [tilespmem:$0x8110]  }
0x25: {  	v11 =	vld [tilespmem:$0x8120]  }
0x26: {  	v10 =	vld [tilespmem:$0x8130]  }
0x27: {  	v9 =	vld [tilespmem:$0x8140]  }
0x28: {  	v7 =	vld [tilespmem:$0x8150]  }
0x29: {  	v5 =	vld [tilespmem:$0x8160]  }
0x2a: {  	v15 =	vld [tilespmem:$0x8170];
	_ =	swait.ge [sflag:s15], $0x4000  }
0x2b: {  	[sflag:s15] =	ssyncset.done $0x0  }
0x2c: {  	[sflag:s15] =	ssyncadd.s32 $0xFFFFC000  }
0x2d: {  	_ =	swait.ge [sflag:s16], $0x4000  }
0x2e: {  	[sflag:s16] =	ssyncset.done $0x0  }
0x2f: {  	s19 =	simm.s32 $0x0;
	[sflag:s16] =	ssyncadd.s32 $0xFFFFC000  }
0x30: {  	v16 =	vld [tilespmem:s19+$0x40F0]  }
0x31: {  	v17 =	vld [tilespmem:s19+$0x4080]  }
0x32: {  	v18 =	vld [tilespmem:s19+$0x4090]  }
0x33: {  	v19 =	vld [tilespmem:s19+$0x40A0]  }
0x34: {  	p0 =	sgt.s32 s7, $0x0;
	v20 =	vld [tilespmem:s19+$0x40B0]  }
0x35: {  	v21 =	vpsel p0, v14, v15;
	v22 =	vld [tilespmem:s19+$0x40C0]  }
0x36: {  	v59 =	vpsel p0, v8, v13;
	v23 =	vld [tilespmem:s19+$0x40D0];
	v16 =	vadd.f32 v16, v21  }
0x37: {  	v24 =	vpsel p0, v6, v12;
	v60 =	vld [tilespmem:s19+$0x40E0];
	v17 =	vadd.f32 v17, v59  }
0x38: {  	v61 =	vpsel p0, v3, v10;
	v18 =	vadd.f32 v18, v24;
	[tilespmem:s19+$0xF0] =	vst.add.f32.msk $0xffff, v16  }
0x39: {  	v62 =	vadd.f32 v20, v61;
	v16 =	vpsel p0, v4, v11;
	[tilespmem:s19+$0x80] =	vst.add.f32.msk $0xffff, v17  }
0x3a: {  	v63 =	vpsel p0, v1, v7;
	[tilespmem:s19+$0x90] =	vst.add.f32.msk $0xffff, v18;
	v16 =	vadd.f32 v19, v16  }
0x3b: {  	v17 =	vpsel p0, v2, v9;
	v18 =	vadd.f32 v23, v63;
	[tilespmem:s19+$0xB0] =	vst.add.f32.msk $0xffff, v62  }
0x3c: {  	v17 =	vadd.f32 v22, v17;
	[tilespmem:s19+$0xA0] =	vst.add.f32.msk $0xffff, v16;
	v16 =	vpsel p0, v0, v5  }
0x3d: {  	[tilespmem:s19+$0xD0] =	vst.add.f32.msk $0xffff, v18;
	v16 =	vadd.f32 v60, v16  }
0x3e: {  	[tilespmem:s19+$0xC0] =	vst.add.f32.msk $0xffff, v17  }
0x3f: {  	s18 =	simm.s32 $0x80;
	s20 =	simm.s32 $0x400;
	[tilespmem:s19+$0xE0] =	vst.add.f32.msk $0xffff, v16;
	s19 =	simm.s32 $0x0  }
.LBB2_2:
0x40: {  	p0 =	sne.s32 s20, $0xFE00;
	v16 =	vld [tilespmem:s18+$0x40F0]  }
0x41: {  	v17 =	vld [tilespmem:s18+$0x4080]  }
0x42: {  	s19 =	sadd.s32 $0x1, s19;
	v18 =	vld [tilespmem:s18+$0x4090]  }
0x43: {  	p1 =	sgt.s32 s7, s19;
	v19 =	vld [tilespmem:s18+$0x40A0]  }
0x44: {  	v20 =	vpsel p1, v8, v13;
	v21 =	vpsel p1, v6, v12;
	v23 =	vpsel p1, v14, v15;
	v22 =	vld [tilespmem:s18+$0x40B0]  }
0x45: {  	v24 =	vpsel p1, v4, v11;
	v25 =	vpsel p1, v3, v10;
	v26 =	vld [tilespmem:s18+$0x40C0];
	v16 =	vadd.f32 v16, v23  }
0x46: {  	v27 =	vpsel p1, v1, v7;
	v29 =	vpsel p1, v0, v5;
	v23 =	vpsel p1, v2, v9;
	v28 =	vld [tilespmem:s18+$0x40D0]  }
0x47: {  	v17 =	vadd.f32 v17, v20;
	v18 =	vadd.f32 v18, v21;
	[tilespmem:s18+$0xF0] =	vst.add.f32.msk $0xffff, v16  }
0x48: {  	v16 =	vadd.f32 v19, v24;
	v19 =	vld [tilespmem:s18+$0x40E0]  }
0x49: {  	[tilespmem:s18+$0x80] =	vst.add.f32.msk $0xffff, v17;
	v17 =	vadd.f32 v22, v25  }
0x4a: {  	[tilespmem:s18+$0x90] =	vst.add.f32.msk $0xffff, v18;
	v18 =	vadd.f32 v26, v23  }
.Ltmp0:
0x4b: {  	[tilespmem:s18+$0xA0] =	vst.add.f32.msk $0xffff, v16;
	v16 =	vadd.f32 v28, v27;
	(pc) =	sbr.rel @p0 .LBB2_2-.Ltmp0, $4  }
0x4c: {  	[tilespmem:s18+$0xB0] =	vst.add.f32.msk $0xffff, v17  }
0x4d: {  	[tilespmem:s18+$0xC0] =	vst.add.f32.msk $0xffff, v18;
	v17 =	vadd.f32 v19, v29  }
0x4e: {  	[tilespmem:s18+$0xD0] =	vst.add.f32.msk $0xffff, v16  }
0x4f: {  	[tilespmem:s18+$0xE0] =	vst.add.f32.msk $0xffff, v17;
	s18 =	sshra.s32 s20, $0x2;
	s20 =	sadd.s32 $0x200, s20  }
0x50: {  	v16 =	vld [tilespmem:s18+$0x40F0]  }
0x51: {  	v17 =	vld [tilespmem:s18+$0x4080]  }
0x52: {  	v18 =	vld [tilespmem:s18+$0x4090]  }
0x53: {  	s19 =	sadd.s32 $0x1, s19;
	v19 =	vld [tilespmem:s18+$0x40A0]  }
0x54: {  	v60 =	vld [tilespmem:s18+$0x40B0];
	p0 =	sgt.s32 s7, s19  }
0x55: {  	v61 =	vld [tilespmem:s18+$0x40C0];
	v14 =	vpsel p0, v14, v15  }
0x56: {  	v62 =	vld [tilespmem:s18+$0x40D0];
	v8 =	vpsel p0, v8, v13;
	v14 =	vadd.f32 v16, v14  }
0x57: {  	v63 =	vld [tilespmem:s18+$0x40E0];
	v6 =	vpsel p0, v6, v12;
	v8 =	vadd.f32 v17, v8  }
0x58: {  	v4 =	vpsel p0, v4, v11;
	v6 =	vadd.f32 v18, v6;
	[tilespmem:s18+$0xF0] =	vst.add.f32.msk $0xffff, v14  }
0x59: {  	v3 =	vpsel p0, v3, v10;
	v4 =	vadd.f32 v19, v4;
	[tilespmem:s18+$0x80] =	vst.add.f32.msk $0xffff, v8  }
0x5a: {  	v2 =	vpsel p0, v2, v9;
	v3 =	vadd.f32 v60, v3;
	[tilespmem:s18+$0x90] =	vst.add.f32.msk $0xffff, v6  }
0x5b: {  	v1 =	vpsel p0, v1, v7;
	v2 =	vadd.f32 v61, v2;
	[tilespmem:s18+$0xA0] =	vst.add.f32.msk $0xffff, v4  }
0x5c: {  	v0 =	vpsel p0, v0, v5;
	v1 =	vadd.f32 v62, v1;
	[tilespmem:s18+$0xB0] =	vst.add.f32.msk $0xffff, v3  }
0x5d: {  	s17 =	sadd.s32 $0x1, s17;
	v0 =	vadd.f32 v63, v0;
	[tilespmem:s18+$0xC0] =	vst.add.f32.msk $0xffff, v2  }
0x5e: {  	p0 =	sne.s32 s17, s9;
	[tilespmem:s18+$0xD0] =	vst.add.f32.msk $0xffff, v1  }
.Ltmp1:
0x5f: {  	[tilespmem:s18+$0xE0] =	vst.add.f32.msk $0xffff, v0;
	(pc) =	sbr.rel @p0 .LBB2_1-.Ltmp1, $4  }
0x60: {  	[hbm4b:s8+s4] =	stream.linear.scatter [tilespmem:s13], [sflag:$0x4], $0x4000, $0x38;
	[tilespmem:$0x8180] =	vst v63  }
0x61: {  	_ =	swait.ge [sflag:s12], $0x4000  }
0x62: {  	[sflag:s12] =	ssyncset.done $0x0  }
0x63: {  	[sflag:s12] =	ssyncadd.s32 $0xFFFFC000  }
0x64: {  	_ =	sfence.sel $0x180000  }
0x65: {  	[bflag:$0x0] =	sbarrier.arrive $0xFFFF  }
0x66: {  	p0 =	sne.s32 s2, $0x0;
	_ =	strace $0x90000047  }
0x67: {  	s0 =	sadd.s32 @!p0 $0x100000, s1;
	[bflag:$0x2] =	sbarrier.arrive $0xFFFF  }
0x68: {  	[sflag:s0] =	ssyncadd.tile.s32 @!p0 $0x1;
	_ =	shalt  }
.Lfunc_end2:
_tile_overlayer_lowered:
.L_overlay_start_2:
0x69: {  	(tag) =	ssettag $0x2  }
0x6a: {  	s0 =	rddreg [dreg:$0x0];
	s2 =	stileid.u32  }
0x6b: {  	s1 =	rddreg [dreg:$0x1];
	p0 =	sne.s32 s2, $0x0  }
0x6c: {  	s3 =	rddreg [dreg:$0x2];
	[bflag:$0x3] =	sbarrier.arrive $0xFFFF;
	s2 =	simm.s32 @!p0 $0x1C04  }
0x6d: {  	[timem:s3], [sflag:s2] =	dma.local @!p0 [hbm:s0], s1  }
0x6e: {  	s0 =	simm.s32 @!p0 $0x4  }
0x6f: {  	_ =	swait.ge @!p0 [sflag:s0], s1  }
0x70: {  	s1 =	ssub.s32 @!p0 $0x0, s1;
	[sflag:s0] =	ssyncset.done @!p0 $0x0  }
0x71: {  	[sflag:s0] =	ssyncadd.s32 @!p0 s1  }
0x72: {  	[bflag:$0x3] =	sbarrier.arrive $0xFFFF  }
0x73: {  	_ =	shalt  }

</sc_bundles>
